<compile_context>
chip_gen: v7x
topology: tpu7x:2x2x1
jax: 0.10.2.dev20260603
libtpu: 0.0.44.dev20260713+nightly
codegen_flags: <defaults>
</compile_context>

<pallas_src>
import jax
import jax.numpy as jnp
from jax import lax
from jax.experimental import pallas as pl
from jax.experimental.pallas import tpu as pltpu
from jax.experimental.pallas import tpu_sc as plsc

N_NODES = 10000
N_EDGES = 160000
D_FEAT = 256
D_EDGE = 16

NGRID = 4
NBLK = 2560
EGRID = 10
EBLK = N_EDGES // EGRID

_DN = (((1,), (1,)), ((), ()))


def _proj_nodes_body(xs_ref, xc_ref, ws_ref, wc_ref, out_ref):
    rs = lax.dot_general(ws_ref[...], xs_ref[...], _DN,
                         preferred_element_type=jnp.float32)
    rc = lax.dot_general(wc_ref[...], xc_ref[...], _DN,
                         preferred_element_type=jnp.float32)
    out_ref[0:2, :] = rs
    out_ref[2:4, :] = rc


def _project_nodes(x_student, x_code, ws, wc):
    return pl.pallas_call(
        _proj_nodes_body,
        grid=(NGRID,),
        in_specs=[
            pl.BlockSpec((NBLK, D_FEAT), lambda i: (i, 0)),
            pl.BlockSpec((NBLK, D_FEAT), lambda i: (i, 0)),
            pl.BlockSpec((2, D_FEAT), lambda i: (0, 0)),
            pl.BlockSpec((2, D_FEAT), lambda i: (0, 0)),
        ],
        out_specs=pl.BlockSpec((4, NBLK), lambda i: (0, i)),
        out_shape=jax.ShapeDtypeStruct((4, N_NODES), jnp.float32),
    )(x_student, x_code, ws, wc)


_DE = (((1,), (0,)), ((), ()))


def _proj_edges_body(ef_ref, we_ref, b_ref, out_ref):
    out_ref[...] = lax.dot_general(we_ref[...], ef_ref[...], _DE,
                                   preferred_element_type=jnp.float32) + b_ref[:, 0:1]


def _project_edges(ef_t, we, b_arr):
    return pl.pallas_call(
        _proj_edges_body,
        grid=(EGRID,),
        in_specs=[
            pl.BlockSpec((D_EDGE, EBLK), lambda i: (0, i)),
            pl.BlockSpec((2, D_EDGE), lambda i: (0, 0)),
            pl.BlockSpec((2, 128), lambda i: (0, 0)),
        ],
        out_specs=pl.BlockSpec((2, EBLK), lambda i: (0, i)),
        out_shape=jax.ShapeDtypeStruct((2, N_EDGES), jnp.float32),
    )(ef_t, we, b_arr)


NC = 2
NS = 16
NW = NC * NS
L = 16

NV = N_EDGES // L
VQ = NV // NW
VR = NV % NW
E_HI = (VQ + 1) * L
E_LO = VQ * L


def _gather_body(tbl_hbm, idx_hbm, eb_hbm, out_hbm,
                 ts0_v, ts1_v, tc0_v, tc1_v, idx0_v, idx1_v, out0_v, out1_v,
                 sem):
    w = lax.axis_index("s") * NC + lax.axis_index("c")
    base_e = (w * VQ + jnp.minimum(w, VR)) * L

    h0 = pltpu.async_copy(tbl_hbm.at[pl.ds(0 * N_NODES, N_NODES)], ts0_v, sem)
    h1 = pltpu.async_copy(tbl_hbm.at[pl.ds(1 * N_NODES, N_NODES)], ts1_v, sem)
    h2 = pltpu.async_copy(tbl_hbm.at[pl.ds(2 * N_NODES, N_NODES)], tc0_v, sem)
    h3 = pltpu.async_copy(tbl_hbm.at[pl.ds(3 * N_NODES, N_NODES)], tc1_v, sem)

    @pl.when(w < VR)
    def _():
        pltpu.sync_copy(idx_hbm.at[pl.ds(base_e, E_HI)], idx0_v)
        pltpu.sync_copy(idx_hbm.at[pl.ds(N_EDGES + base_e, E_HI)], idx1_v)
        pltpu.sync_copy(eb_hbm.at[pl.ds(base_e, E_HI)], out0_v)
        pltpu.sync_copy(eb_hbm.at[pl.ds(N_EDGES + base_e, E_HI)], out1_v)

    @pl.when(w >= VR)
    def _():
        pltpu.sync_copy(idx_hbm.at[pl.ds(base_e, E_LO)],
                        idx0_v.at[pl.ds(0, E_LO)])
        pltpu.sync_copy(idx_hbm.at[pl.ds(N_EDGES + base_e, E_LO)],
                        idx1_v.at[pl.ds(0, E_LO)])
        pltpu.sync_copy(eb_hbm.at[pl.ds(base_e, E_LO)],
                        out0_v.at[pl.ds(0, E_LO)])
        pltpu.sync_copy(eb_hbm.at[pl.ds(N_EDGES + base_e, E_LO)],
                        out1_v.at[pl.ds(0, E_LO)])

    h0.wait()
    h1.wait()
    h2.wait()
    h3.wait()

    cnt = jnp.where(w < VR, VQ + 1, VQ)

    def body(j, carry):
        sl = pl.ds(j * L, L)
        i0 = idx0_v[sl]
        i1 = idx1_v[sl]
        s0 = plsc.load_gather(ts0_v, [i0])
        s1 = plsc.load_gather(ts1_v, [i0])
        c0 = plsc.load_gather(tc0_v, [i1])
        c1 = plsc.load_gather(tc1_v, [i1])
        out0_v[sl] = out0_v[sl] + (s0 + c0)
        out1_v[sl] = out1_v[sl] + (s1 + c1)
        return carry

    lax.fori_loop(0, cnt, body, 0)

    @pl.when(w < VR)
    def _():
        pltpu.sync_copy(out0_v, out_hbm.at[pl.ds(base_e, E_HI)])
        pltpu.sync_copy(out1_v, out_hbm.at[pl.ds(N_EDGES + base_e, E_HI)])

    @pl.when(w >= VR)
    def _():
        pltpu.sync_copy(out0_v.at[pl.ds(0, E_LO)],
                        out_hbm.at[pl.ds(base_e, E_LO)])
        pltpu.sync_copy(out1_v.at[pl.ds(0, E_LO)],
                        out_hbm.at[pl.ds(N_EDGES + base_e, E_LO)])


def _gather(tbl, idx, eb):
    fn = pl.kernel(
        _gather_body,
        out_type=jax.ShapeDtypeStruct((2 * N_EDGES,), jnp.float32),
        mesh=plsc.VectorSubcoreMesh(core_axis_name="c", subcore_axis_name="s"),
        compiler_params=pltpu.CompilerParams(needs_layout_passes=False),
        scratch_types=[
            pltpu.VMEM((N_NODES,), jnp.float32),
            pltpu.VMEM((N_NODES,), jnp.float32),
            pltpu.VMEM((N_NODES,), jnp.float32),
            pltpu.VMEM((N_NODES,), jnp.float32),
            pltpu.VMEM((E_HI,), jnp.int32),
            pltpu.VMEM((E_HI,), jnp.int32),
            pltpu.VMEM((E_HI,), jnp.float32),
            pltpu.VMEM((E_HI,), jnp.float32),
            pltpu.SemaphoreType.DMA,
        ],
    )
    return fn(tbl, idx, eb)


@jax.jit
def kernel(x_student, x_code, edge_label_index, edge_feat, W, b):
    ws = W[:, :D_FEAT]
    we = W[:, D_FEAT:D_FEAT + D_EDGE]
    wc = W[:, D_FEAT + D_EDGE:]
    b_arr = jnp.broadcast_to(b.reshape(2, 1), (2, 128))
    tbl = _project_nodes(x_student, x_code, ws, wc).reshape(4 * N_NODES)
    eb = _project_edges(edge_feat.T, we, b_arr).reshape(2 * N_EDGES)
    idx = edge_label_index.reshape(2 * N_EDGES)
    flat = _gather(tbl, idx, eb)
    return flat.reshape(2, N_EDGES).T

# --- scband reference (transcript-rebuilt; emitter-appended) ---
"""Pipeline reference for scband-classifier-heterogeneous-6828998001563 (READ-ONLY COPY).

The authoritative reference and input builder live on the scoring server;
editing this copy changes nothing except your own understanding.
"""

import jax, jax.numpy as jnp
import numpy as np

N_NODES = 10000
N_EDGES = 160000
D_FEAT = 256
D_EDGE = 16
IN_DIM = 2 * D_FEAT + D_EDGE


def setup_inputs(seed: int = 0) -> dict:
    key = jax.random.key(seed)
    k1, k2, k3, k4, k5 = jax.random.split(key, 5)
    x_student = jax.random.normal(k1, (N_NODES, D_FEAT), dtype=jnp.float32)
    x_code = jax.random.normal(k2, (N_NODES, D_FEAT), dtype=jnp.float32)
    edge_label_index = jax.random.randint(k3, (2, N_EDGES), 0, N_NODES, dtype=jnp.int32)
    edge_feat = jax.random.normal(k4, (N_EDGES, D_EDGE), dtype=jnp.float32)
    # nn.Linear(2*input_channel + edge_dim, 2) parameters
    bound = 1.0 / np.sqrt(IN_DIM)
    kw, kb = jax.random.split(k5)
    W = jax.random.uniform(kw, (2, IN_DIM), dtype=jnp.float32, minval=-bound, maxval=bound)
    b = jax.random.uniform(kb, (2,), dtype=jnp.float32, minval=-bound, maxval=bound)
    return {"x_student": x_student, "x_code": x_code, "edge_label_index": edge_label_index, "edge_feat": edge_feat, "W": W, "b": b}


def reference(x_student, x_code, edge_label_index, edge_feat, W, b):
    # gather node features for each labeled edge
    edge_feat_student = jnp.take(x_student, edge_label_index[0], axis=0)
    edge_feat_code = jnp.take(x_code, edge_label_index[1], axis=0)
    # edge_feat is not None branch
    x = jnp.concatenate([edge_feat_student, edge_feat, edge_feat_code], axis=-1)
    return x @ W.T + b

if __name__ == "__main__":
    import jax
    _d = setup_inputs()
    print(jax.jit(kernel)(*tuple(_d.values())))

</pallas_src>

<mosaic_0001>
#map = affine_map<(d0, d1) -> (0)>
module attributes {stable_mosaic.version = 14 : i64} {
  func.func @_gather_body(%arg0: i32, %arg1: i32, %arg2: memref<40000xf32, #tpu.memory_space<hbm>>, %arg3: memref<320000xi32, #tpu.memory_space<hbm>>, %arg4: memref<320000xf32, #tpu.memory_space<hbm>>, %arg5: memref<320000xf32, #tpu.memory_space<hbm>>, %arg6: memref<10000xf32, #tpu.memory_space<vmem>>, %arg7: memref<10000xf32, #tpu.memory_space<vmem>>, %arg8: memref<10000xf32, #tpu.memory_space<vmem>>, %arg9: memref<10000xf32, #tpu.memory_space<vmem>>, %arg10: memref<5008xi32, #tpu.memory_space<vmem>>, %arg11: memref<5008xi32, #tpu.memory_space<vmem>>, %arg12: memref<5008xf32, #tpu.memory_space<vmem>>, %arg13: memref<5008xf32, #tpu.memory_space<vmem>>, %arg14: memref<!tpu.dma_semaphore, #tpu.memory_space<semaphore_mem>>) attributes {dimension_semantics = [#tpu.dimension_semantics<core_parallel>, #tpu.dimension_semantics<subcore_parallel>], iteration_bounds = array<i64: 2, 16>, scalar_prefetch = 0 : i64, scratch_operands = 9 : i64, tpu.core_type = #tpu.core_type<sc_vector_subcore>, window_params = [{transform_indices = #map}, {transform_indices = #map}, {transform_indices = #map}, {transform_indices = #map}]} {
    %mul3A = arith.constant 2 : i32
    %mul3A_0 = arith.muli %arg1, %mul3A : i32
    %add3A = arith.addi %mul3A_0, %arg0 : i32
    %mul3A_1 = arith.constant 312 : i32
    %mul3A_2 = arith.muli %add3A, %mul3A_1 : i32
    %min3A = arith.constant 16 : i32
    %min3A_3 = arith.minsi %add3A, %min3A : i32
    %add3A_4 = arith.addi %mul3A_2, %min3A_3 : i32
    %mul3A_5 = arith.constant 16 : i32
    %mul3A_6 = arith.muli %add3A_4, %mul3A_5 : i32
    %dma_start3A = arith.constant 0 : i32
    %dma_start3A_7 = tpu.memref_slice %arg2[%dma_start3A] : memref<40000xf32, #tpu.memory_space<hbm>> -> memref<10000xf32, #tpu.memory_space<hbm>>
    %dma_start3A_8 = arith.constant 0 : i32
    %dma_start3A_9 = tpu.memref_slice %arg2[%dma_start3A_8] : memref<40000xf32, #tpu.memory_space<hbm>> -> memref<10000xf32, #tpu.memory_space<hbm>>
    tpu.enqueue_dma source(%dma_start3A_9 : memref<10000xf32, #tpu.memory_space<hbm>>) target(%arg6 : memref<10000xf32, #tpu.memory_space<vmem>>) target_semaphore(%arg14 : memref<!tpu.dma_semaphore, #tpu.memory_space<semaphore_mem>>)
    %dma_start3A_10 = arith.constant 10000 : i32
    %dma_start3A_11 = tpu.memref_slice %arg2[%dma_start3A_10] : memref<40000xf32, #tpu.memory_space<hbm>> -> memref<10000xf32, #tpu.memory_space<hbm>>
    %dma_start3A_12 = arith.constant 10000 : i32
    %dma_start3A_13 = tpu.memref_slice %arg2[%dma_start3A_12] : memref<40000xf32, #tpu.memory_space<hbm>> -> memref<10000xf32, #tpu.memory_space<hbm>>
    tpu.enqueue_dma source(%dma_start3A_13 : memref<10000xf32, #tpu.memory_space<hbm>>) target(%arg7 : memref<10000xf32, #tpu.memory_space<vmem>>) target_semaphore(%arg14 : memref<!tpu.dma_semaphore, #tpu.memory_space<semaphore_mem>>)
    %dma_start3A_14 = arith.constant 20000 : i32
    %dma_start3A_15 = tpu.memref_slice %arg2[%dma_start3A_14] : memref<40000xf32, #tpu.memory_space<hbm>> -> memref<10000xf32, #tpu.memory_space<hbm>>
    %dma_start3A_16 = arith.constant 20000 : i32
    %dma_start3A_17 = tpu.memref_slice %arg2[%dma_start3A_16] : memref<40000xf32, #tpu.memory_space<hbm>> -> memref<10000xf32, #tpu.memory_space<hbm>>
    tpu.enqueue_dma source(%dma_start3A_17 : memref<10000xf32, #tpu.memory_space<hbm>>) target(%arg8 : memref<10000xf32, #tpu.memory_space<vmem>>) target_semaphore(%arg14 : memref<!tpu.dma_semaphore, #tpu.memory_space<semaphore_mem>>)
    %dma_start3A_18 = arith.constant 30000 : i32
    %dma_start3A_19 = tpu.memref_slice %arg2[%dma_start3A_18] : memref<40000xf32, #tpu.memory_space<hbm>> -> memref<10000xf32, #tpu.memory_space<hbm>>
    %dma_start3A_20 = arith.constant 30000 : i32
    %dma_start3A_21 = tpu.memref_slice %arg2[%dma_start3A_20] : memref<40000xf32, #tpu.memory_space<hbm>> -> memref<10000xf32, #tpu.memory_space<hbm>>
    tpu.enqueue_dma source(%dma_start3A_21 : memref<10000xf32, #tpu.memory_space<hbm>>) target(%arg9 : memref<10000xf32, #tpu.memory_space<vmem>>) target_semaphore(%arg14 : memref<!tpu.dma_semaphore, #tpu.memory_space<semaphore_mem>>)
    %lt3A = arith.constant 16 : i32
    %lt3A_22 = arith.cmpi slt, %add3A, %lt3A : i32
    %convert_element_type3A = arith.extui %lt3A_22 : i1 to i32
    %cond3A = arith.constant 0 : i32
    %cond3A_23 = arith.cmpi ne, %convert_element_type3A, %cond3A : i32
    scf.if %cond3A_23 {
      "tpu.region"() ({
        %run_scoped3A = tpu.sem_alloc : memref<!tpu.dma_semaphore, #tpu.memory_space<semaphore_mem>>
        %dma_start3A_69 = tpu.memref_slice %arg3[%mul3A_6] : memref<320000xi32, #tpu.memory_space<hbm>> -> memref<5008xi32, #tpu.memory_space<hbm>>
        %dma_start3A_70 = tpu.memref_slice %arg3[%mul3A_6] : memref<320000xi32, #tpu.memory_space<hbm>> -> memref<5008xi32, #tpu.memory_space<hbm>>
        tpu.enqueue_dma source(%dma_start3A_70 : memref<5008xi32, #tpu.memory_space<hbm>>) target(%arg10 : memref<5008xi32, #tpu.memory_space<vmem>>) target_semaphore(%run_scoped3A : memref<!tpu.dma_semaphore, #tpu.memory_space<semaphore_mem>>)
        %dma_wait3A_71 = tpu.memref_slice %arg3[%mul3A_6] : memref<320000xi32, #tpu.memory_space<hbm>> -> memref<5008xi32, #tpu.memory_space<hbm>>
        %dma_wait3A_72 = tpu.memref_slice %arg3[%mul3A_6] : memref<320000xi32, #tpu.memory_space<hbm>> -> memref<5008xi32, #tpu.memory_space<hbm>>
        tpu.wait_dma2 semaphore(%run_scoped3A : memref<!tpu.dma_semaphore, #tpu.memory_space<semaphore_mem>>) src(%dma_wait3A_72 : memref<5008xi32, #tpu.memory_space<hbm>>) dst(%arg10 : memref<5008xi32, #tpu.memory_space<vmem>>)
        tpu.yield
      }) : () -> ()
      %add3A_65 = arith.constant 160000 : i32
      %add3A_66 = arith.addi %add3A_65, %mul3A_6 : i32
      "tpu.region"() ({
        %run_scoped3A = tpu.sem_alloc : memref<!tpu.dma_semaphore, #tpu.memory_space<semaphore_mem>>
        %dma_start3A_69 = tpu.memref_slice %arg3[%add3A_66] : memref<320000xi32, #tpu.memory_space<hbm>> -> memref<5008xi32, #tpu.memory_space<hbm>>
        %dma_start3A_70 = tpu.memref_slice %arg3[%add3A_66] : memref<320000xi32, #tpu.memory_space<hbm>> -> memref<5008xi32, #tpu.memory_space<hbm>>
        tpu.enqueue_dma source(%dma_start3A_70 : memref<5008xi32, #tpu.memory_space<hbm>>) target(%arg11 : memref<5008xi32, #tpu.memory_space<vmem>>) target_semaphore(%run_scoped3A : memref<!tpu.dma_semaphore, #tpu.memory_space<semaphore_mem>>)
        %dma_wait3A_71 = tpu.memref_slice %arg3[%add3A_66] : memref<320000xi32, #tpu.memory_space<hbm>> -> memref<5008xi32, #tpu.memory_space<hbm>>
        %dma_wait3A_72 = tpu.memref_slice %arg3[%add3A_66] : memref<320000xi32, #tpu.memory_space<hbm>> -> memref<5008xi32, #tpu.memory_space<hbm>>
        tpu.wait_dma2 semaphore(%run_scoped3A : memref<!tpu.dma_semaphore, #tpu.memory_space<semaphore_mem>>) src(%dma_wait3A_72 : memref<5008xi32, #tpu.memory_space<hbm>>) dst(%arg11 : memref<5008xi32, #tpu.memory_space<vmem>>)
        tpu.yield
      }) : () -> ()
      "tpu.region"() ({
        %run_scoped3A = tpu.sem_alloc : memref<!tpu.dma_semaphore, #tpu.memory_space<semaphore_mem>>
        %dma_start3A_69 = tpu.memref_slice %arg4[%mul3A_6] : memref<320000xf32, #tpu.memory_space<hbm>> -> memref<5008xf32, #tpu.memory_space<hbm>>
        %dma_start3A_70 = tpu.memref_slice %arg4[%mul3A_6] : memref<320000xf32, #tpu.memory_space<hbm>> -> memref<5008xf32, #tpu.memory_space<hbm>>
        tpu.enqueue_dma source(%dma_start3A_70 : memref<5008xf32, #tpu.memory_space<hbm>>) target(%arg12 : memref<5008xf32, #tpu.memory_space<vmem>>) target_semaphore(%run_scoped3A : memref<!tpu.dma_semaphore, #tpu.memory_space<semaphore_mem>>)
        %dma_wait3A_71 = tpu.memref_slice %arg4[%mul3A_6] : memref<320000xf32, #tpu.memory_space<hbm>> -> memref<5008xf32, #tpu.memory_space<hbm>>
        %dma_wait3A_72 = tpu.memref_slice %arg4[%mul3A_6] : memref<320000xf32, #tpu.memory_space<hbm>> -> memref<5008xf32, #tpu.memory_space<hbm>>
        tpu.wait_dma2 semaphore(%run_scoped3A : memref<!tpu.dma_semaphore, #tpu.memory_space<semaphore_mem>>) src(%dma_wait3A_72 : memref<5008xf32, #tpu.memory_space<hbm>>) dst(%arg12 : memref<5008xf32, #tpu.memory_space<vmem>>)
        tpu.yield
      }) : () -> ()
      %add3A_67 = arith.constant 160000 : i32
      %add3A_68 = arith.addi %add3A_67, %mul3A_6 : i32
      "tpu.region"() ({
        %run_scoped3A = tpu.sem_alloc : memref<!tpu.dma_semaphore, #tpu.memory_space<semaphore_mem>>
        %dma_start3A_69 = tpu.memref_slice %arg4[%add3A_68] : memref<320000xf32, #tpu.memory_space<hbm>> -> memref<5008xf32, #tpu.memory_space<hbm>>
        %dma_start3A_70 = tpu.memref_slice %arg4[%add3A_68] : memref<320000xf32, #tpu.memory_space<hbm>> -> memref<5008xf32, #tpu.memory_space<hbm>>
        tpu.enqueue_dma source(%dma_start3A_70 : memref<5008xf32, #tpu.memory_space<hbm>>) target(%arg13 : memref<5008xf32, #tpu.memory_space<vmem>>) target_semaphore(%run_scoped3A : memref<!tpu.dma_semaphore, #tpu.memory_space<semaphore_mem>>)
        %dma_wait3A_71 = tpu.memref_slice %arg4[%add3A_68] : memref<320000xf32, #tpu.memory_space<hbm>> -> memref<5008xf32, #tpu.memory_space<hbm>>
        %dma_wait3A_72 = tpu.memref_slice %arg4[%add3A_68] : memref<320000xf32, #tpu.memory_space<hbm>> -> memref<5008xf32, #tpu.memory_space<hbm>>
        tpu.wait_dma2 semaphore(%run_scoped3A : memref<!tpu.dma_semaphore, #tpu.memory_space<semaphore_mem>>) src(%dma_wait3A_72 : memref<5008xf32, #tpu.memory_space<hbm>>) dst(%arg13 : memref<5008xf32, #tpu.memory_space<vmem>>)
        tpu.yield
      }) : () -> ()
    } else {
    }
    %ge3A = arith.constant 16 : i32
    %ge3A_24 = arith.cmpi sge, %add3A, %ge3A : i32
    %convert_element_type3A_25 = arith.extui %ge3A_24 : i1 to i32
    %cond3A_26 = arith.constant 0 : i32
    %cond3A_27 = arith.cmpi ne, %convert_element_type3A_25, %cond3A_26 : i32
    scf.if %cond3A_27 {
      "tpu.region"() ({
        %run_scoped3A = tpu.sem_alloc : memref<!tpu.dma_semaphore, #tpu.memory_space<semaphore_mem>>
        %dma_start3A_69 = arith.constant 0 : i32
        %dma_start3A_70 = tpu.memref_slice %arg10[%dma_start3A_69] : memref<5008xi32, #tpu.memory_space<vmem>> -> memref<4992xi32, #tpu.memory_space<vmem>>
        %dma_start3A_71 = tpu.memref_slice %arg3[%mul3A_6] : memref<320000xi32, #tpu.memory_space<hbm>> -> memref<4992xi32, #tpu.memory_space<hbm>>
        %dma_start3A_72 = arith.constant 0 : i32
        %dma_start3A_73 = tpu.memref_slice %arg10[%dma_start3A_72] : memref<5008xi32, #tpu.memory_space<vmem>> -> memref<4992xi32, #tpu.memory_space<vmem>>
        %dma_start3A_74 = tpu.memref_slice %arg3[%mul3A_6] : memref<320000xi32, #tpu.memory_space<hbm>> -> memref<4992xi32, #tpu.memory_space<hbm>>
        tpu.enqueue_dma source(%dma_start3A_74 : memref<4992xi32, #tpu.memory_space<hbm>>) target(%dma_start3A_73 : memref<4992xi32, #tpu.memory_space<vmem>>) target_semaphore(%run_scoped3A : memref<!tpu.dma_semaphore, #tpu.memory_space<semaphore_mem>>)
        %dma_wait3A_75 = arith.constant 0 : i32
        %dma_wait3A_76 = tpu.memref_slice %arg10[%dma_wait3A_75] : memref<5008xi32, #tpu.memory_space<vmem>> -> memref<4992xi32, #tpu.memory_space<vmem>>
        %dma_wait3A_77 = tpu.memref_slice %arg3[%mul3A_6] : memref<320000xi32, #tpu.memory_space<hbm>> -> memref<4992xi32, #tpu.memory_space<hbm>>
        %dma_wait3A_78 = arith.constant 0 : i32
        %dma_wait3A_79 = tpu.memref_slice %arg10[%dma_wait3A_78] : memref<5008xi32, #tpu.memory_space<vmem>> -> memref<4992xi32, #tpu.memory_space<vmem>>
        %dma_wait3A_80 = tpu.memref_slice %arg3[%mul3A_6] : memref<320000xi32, #tpu.memory_space<hbm>> -> memref<4992xi32, #tpu.memory_space<hbm>>
        tpu.wait_dma2 semaphore(%run_scoped3A : memref<!tpu.dma_semaphore, #tpu.memory_space<semaphore_mem>>) src(%dma_wait3A_80 : memref<4992xi32, #tpu.memory_space<hbm>>) dst(%dma_wait3A_79 : memref<4992xi32, #tpu.memory_space<vmem>>)
        tpu.yield
      }) : () -> ()
      %add3A_65 = arith.constant 160000 : i32
      %add3A_66 = arith.addi %add3A_65, %mul3A_6 : i32
      "tpu.region"() ({
        %run_scoped3A = tpu.sem_alloc : memref<!tpu.dma_semaphore, #tpu.memory_space<semaphore_mem>>
        %dma_start3A_69 = arith.constant 0 : i32
        %dma_start3A_70 = tpu.memref_slice %arg11[%dma_start3A_69] : memref<5008xi32, #tpu.memory_space<vmem>> -> memref<4992xi32, #tpu.memory_space<vmem>>
        %dma_start3A_71 = tpu.memref_slice %arg3[%add3A_66] : memref<320000xi32, #tpu.memory_space<hbm>> -> memref<4992xi32, #tpu.memory_space<hbm>>
        %dma_start3A_72 = arith.constant 0 : i32
        %dma_start3A_73 = tpu.memref_slice %arg11[%dma_start3A_72] : memref<5008xi32, #tpu.memory_space<vmem>> -> memref<4992xi32, #tpu.memory_space<vmem>>
        %dma_start3A_74 = tpu.memref_slice %arg3[%add3A_66] : memref<320000xi32, #tpu.memory_space<hbm>> -> memref<4992xi32, #tpu.memory_space<hbm>>
        tpu.enqueue_dma source(%dma_start3A_74 : memref<4992xi32, #tpu.memory_space<hbm>>) target(%dma_start3A_73 : memref<4992xi32, #tpu.memory_space<vmem>>) target_semaphore(%run_scoped3A : memref<!tpu.dma_semaphore, #tpu.memory_space<semaphore_mem>>)
        %dma_wait3A_75 = arith.constant 0 : i32
        %dma_wait3A_76 = tpu.memref_slice %arg11[%dma_wait3A_75] : memref<5008xi32, #tpu.memory_space<vmem>> -> memref<4992xi32, #tpu.memory_space<vmem>>
        %dma_wait3A_77 = tpu.memref_slice %arg3[%add3A_66] : memref<320000xi32, #tpu.memory_space<hbm>> -> memref<4992xi32, #tpu.memory_space<hbm>>
        %dma_wait3A_78 = arith.constant 0 : i32
        %dma_wait3A_79 = tpu.memref_slice %arg11[%dma_wait3A_78] : memref<5008xi32, #tpu.memory_space<vmem>> -> memref<4992xi32, #tpu.memory_space<vmem>>
        %dma_wait3A_80 = tpu.memref_slice %arg3[%add3A_66] : memref<320000xi32, #tpu.memory_space<hbm>> -> memref<4992xi32, #tpu.memory_space<hbm>>
        tpu.wait_dma2 semaphore(%run_scoped3A : memref<!tpu.dma_semaphore, #tpu.memory_space<semaphore_mem>>) src(%dma_wait3A_80 : memref<4992xi32, #tpu.memory_space<hbm>>) dst(%dma_wait3A_79 : memref<4992xi32, #tpu.memory_space<vmem>>)
        tpu.yield
      }) : () -> ()
      "tpu.region"() ({
        %run_scoped3A = tpu.sem_alloc : memref<!tpu.dma_semaphore, #tpu.memory_space<semaphore_mem>>
        %dma_start3A_69 = arith.constant 0 : i32
        %dma_start3A_70 = tpu.memref_slice %arg12[%dma_start3A_69] : memref<5008xf32, #tpu.memory_space<vmem>> -> memref<4992xf32, #tpu.memory_space<vmem>>
        %dma_start3A_71 = tpu.memref_slice %arg4[%mul3A_6] : memref<320000xf32, #tpu.memory_space<hbm>> -> memref<4992xf32, #tpu.memory_space<hbm>>
        %dma_start3A_72 = arith.constant 0 : i32
        %dma_start3A_73 = tpu.memref_slice %arg12[%dma_start3A_72] : memref<5008xf32, #tpu.memory_space<vmem>> -> memref<4992xf32, #tpu.memory_space<vmem>>
        %dma_start3A_74 = tpu.memref_slice %arg4[%mul3A_6] : memref<320000xf32, #tpu.memory_space<hbm>> -> memref<4992xf32, #tpu.memory_space<hbm>>
        tpu.enqueue_dma source(%dma_start3A_74 : memref<4992xf32, #tpu.memory_space<hbm>>) target(%dma_start3A_73 : memref<4992xf32, #tpu.memory_space<vmem>>) target_semaphore(%run_scoped3A : memref<!tpu.dma_semaphore, #tpu.memory_space<semaphore_mem>>)
        %dma_wait3A_75 = arith.constant 0 : i32
        %dma_wait3A_76 = tpu.memref_slice %arg12[%dma_wait3A_75] : memref<5008xf32, #tpu.memory_space<vmem>> -> memref<4992xf32, #tpu.memory_space<vmem>>
        %dma_wait3A_77 = tpu.memref_slice %arg4[%mul3A_6] : memref<320000xf32, #tpu.memory_space<hbm>> -> memref<4992xf32, #tpu.memory_space<hbm>>
        %dma_wait3A_78 = arith.constant 0 : i32
        %dma_wait3A_79 = tpu.memref_slice %arg12[%dma_wait3A_78] : memref<5008xf32, #tpu.memory_space<vmem>> -> memref<4992xf32, #tpu.memory_space<vmem>>
        %dma_wait3A_80 = tpu.memref_slice %arg4[%mul3A_6] : memref<320000xf32, #tpu.memory_space<hbm>> -> memref<4992xf32, #tpu.memory_space<hbm>>
        tpu.wait_dma2 semaphore(%run_scoped3A : memref<!tpu.dma_semaphore, #tpu.memory_space<semaphore_mem>>) src(%dma_wait3A_80 : memref<4992xf32, #tpu.memory_space<hbm>>) dst(%dma_wait3A_79 : memref<4992xf32, #tpu.memory_space<vmem>>)
        tpu.yield
      }) : () -> ()
      %add3A_67 = arith.constant 160000 : i32
      %add3A_68 = arith.addi %add3A_67, %mul3A_6 : i32
      "tpu.region"() ({
        %run_scoped3A = tpu.sem_alloc : memref<!tpu.dma_semaphore, #tpu.memory_space<semaphore_mem>>
        %dma_start3A_69 = arith.constant 0 : i32
        %dma_start3A_70 = tpu.memref_slice %arg13[%dma_start3A_69] : memref<5008xf32, #tpu.memory_space<vmem>> -> memref<4992xf32, #tpu.memory_space<vmem>>
        %dma_start3A_71 = tpu.memref_slice %arg4[%add3A_68] : memref<320000xf32, #tpu.memory_space<hbm>> -> memref<4992xf32, #tpu.memory_space<hbm>>
        %dma_start3A_72 = arith.constant 0 : i32
        %dma_start3A_73 = tpu.memref_slice %arg13[%dma_start3A_72] : memref<5008xf32, #tpu.memory_space<vmem>> -> memref<4992xf32, #tpu.memory_space<vmem>>
        %dma_start3A_74 = tpu.memref_slice %arg4[%add3A_68] : memref<320000xf32, #tpu.memory_space<hbm>> -> memref<4992xf32, #tpu.memory_space<hbm>>
        tpu.enqueue_dma source(%dma_start3A_74 : memref<4992xf32, #tpu.memory_space<hbm>>) target(%dma_start3A_73 : memref<4992xf32, #tpu.memory_space<vmem>>) target_semaphore(%run_scoped3A : memref<!tpu.dma_semaphore, #tpu.memory_space<semaphore_mem>>)
        %dma_wait3A_75 = arith.constant 0 : i32
        %dma_wait3A_76 = tpu.memref_slice %arg13[%dma_wait3A_75] : memref<5008xf32, #tpu.memory_space<vmem>> -> memref<4992xf32, #tpu.memory_space<vmem>>
        %dma_wait3A_77 = tpu.memref_slice %arg4[%add3A_68] : memref<320000xf32, #tpu.memory_space<hbm>> -> memref<4992xf32, #tpu.memory_space<hbm>>
        %dma_wait3A_78 = arith.constant 0 : i32
        %dma_wait3A_79 = tpu.memref_slice %arg13[%dma_wait3A_78] : memref<5008xf32, #tpu.memory_space<vmem>> -> memref<4992xf32, #tpu.memory_space<vmem>>
        %dma_wait3A_80 = tpu.memref_slice %arg4[%add3A_68] : memref<320000xf32, #tpu.memory_space<hbm>> -> memref<4992xf32, #tpu.memory_space<hbm>>
        tpu.wait_dma2 semaphore(%run_scoped3A : memref<!tpu.dma_semaphore, #tpu.memory_space<semaphore_mem>>) src(%dma_wait3A_80 : memref<4992xf32, #tpu.memory_space<hbm>>) dst(%dma_wait3A_79 : memref<4992xf32, #tpu.memory_space<vmem>>)
        tpu.yield
      }) : () -> ()
    } else {
    }
    %dma_wait3A = arith.constant 0 : i32
    %dma_wait3A_28 = tpu.memref_slice %arg2[%dma_wait3A] : memref<40000xf32, #tpu.memory_space<hbm>> -> memref<10000xf32, #tpu.memory_space<hbm>>
    %dma_wait3A_29 = arith.constant 0 : i32
    %dma_wait3A_30 = tpu.memref_slice %arg2[%dma_wait3A_29] : memref<40000xf32, #tpu.memory_space<hbm>> -> memref<10000xf32, #tpu.memory_space<hbm>>
    tpu.wait_dma2 semaphore(%arg14 : memref<!tpu.dma_semaphore, #tpu.memory_space<semaphore_mem>>) src(%dma_wait3A_30 : memref<10000xf32, #tpu.memory_space<hbm>>) dst(%arg6 : memref<10000xf32, #tpu.memory_space<vmem>>)
    %dma_wait3A_31 = arith.constant 10000 : i32
    %dma_wait3A_32 = tpu.memref_slice %arg2[%dma_wait3A_31] : memref<40000xf32, #tpu.memory_space<hbm>> -> memref<10000xf32, #tpu.memory_space<hbm>>
    %dma_wait3A_33 = arith.constant 10000 : i32
    %dma_wait3A_34 = tpu.memref_slice %arg2[%dma_wait3A_33] : memref<40000xf32, #tpu.memory_space<hbm>> -> memref<10000xf32, #tpu.memory_space<hbm>>
    tpu.wait_dma2 semaphore(%arg14 : memref<!tpu.dma_semaphore, #tpu.memory_space<semaphore_mem>>) src(%dma_wait3A_34 : memref<10000xf32, #tpu.memory_space<hbm>>) dst(%arg7 : memref<10000xf32, #tpu.memory_space<vmem>>)
    %dma_wait3A_35 = arith.constant 20000 : i32
    %dma_wait3A_36 = tpu.memref_slice %arg2[%dma_wait3A_35] : memref<40000xf32, #tpu.memory_space<hbm>> -> memref<10000xf32, #tpu.memory_space<hbm>>
    %dma_wait3A_37 = arith.constant 20000 : i32
    %dma_wait3A_38 = tpu.memref_slice %arg2[%dma_wait3A_37] : memref<40000xf32, #tpu.memory_space<hbm>> -> memref<10000xf32, #tpu.memory_space<hbm>>
    tpu.wait_dma2 semaphore(%arg14 : memref<!tpu.dma_semaphore, #tpu.memory_space<semaphore_mem>>) src(%dma_wait3A_38 : memref<10000xf32, #tpu.memory_space<hbm>>) dst(%arg8 : memref<10000xf32, #tpu.memory_space<vmem>>)
    %dma_wait3A_39 = arith.constant 30000 : i32
    %dma_wait3A_40 = tpu.memref_slice %arg2[%dma_wait3A_39] : memref<40000xf32, #tpu.memory_space<hbm>> -> memref<10000xf32, #tpu.memory_space<hbm>>
    %dma_wait3A_41 = arith.constant 30000 : i32
    %dma_wait3A_42 = tpu.memref_slice %arg2[%dma_wait3A_41] : memref<40000xf32, #tpu.memory_space<hbm>> -> memref<10000xf32, #tpu.memory_space<hbm>>
    tpu.wait_dma2 semaphore(%arg14 : memref<!tpu.dma_semaphore, #tpu.memory_space<semaphore_mem>>) src(%dma_wait3A_42 : memref<10000xf32, #tpu.memory_space<hbm>>) dst(%arg9 : memref<10000xf32, #tpu.memory_space<vmem>>)
    %lt3A_43 = arith.constant 16 : i32
    %lt3A_44 = arith.cmpi slt, %add3A, %lt3A_43 : i32
    %jit3A = arith.constant 313 : i32
    %jit3A_45 = arith.constant 312 : i32
    %select_n3A = arith.select %lt3A_44, %jit3A, %jit3A_45 : i32
    %while3A = arith.constant 0 : i32
    %while3A_46 = arith.constant 0 : i32
    %while3A_47 = arith.subi %select_n3A, %while3A_46 : i32
    %while3A_48 = arith.addi %while3A_46, %while3A_47 : i32
    %while3A_49 = arith.constant 1 : i32
    %while3A_50 = arith.divsi %while3A_47, %while3A_49 : i32
    %while3A_51 = arith.muli %while3A_50, %while3A_49 : i32
    %while3A_52 = arith.addi %while3A_46, %while3A_51 : i32
    %while3A_53 = arith.constant 1 : i32
    scf.for %while3A_65 = %while3A_46 to %while3A_52 step %while3A_53  : i32 {
      %mul3A_66 = arith.constant 16 : i32
      %mul3A_67 = arith.muli %while3A_65, %mul3A_66 : i32
      %get3A = arith.index_cast %mul3A_67 : i32 to index
      %get3A_68 = tpu.vector_load %arg10[%get3A] {strides = array<i32>} : memref<5008xi32, #tpu.memory_space<vmem>>, vector<16xi32>,
      %get3A_69 = arith.index_cast %mul3A_67 : i32 to index
      %get3A_70 = tpu.vector_load %arg11[%get3A_69] {strides = array<i32>} : memref<5008xi32, #tpu.memory_space<vmem>>, vector<16xi32>,
      %gather3A = tpu.vector_load_idx %arg6[%get3A_68] : memref<10000xf32, #tpu.memory_space<vmem>>[vector<16xi32>], vector<16xf32>,
      %gather3A_71 = tpu.vector_load_idx %arg7[%get3A_68] : memref<10000xf32, #tpu.memory_space<vmem>>[vector<16xi32>], vector<16xf32>,
      %gather3A_72 = tpu.vector_load_idx %arg8[%get3A_70] : memref<10000xf32, #tpu.memory_space<vmem>>[vector<16xi32>], vector<16xf32>,
      %gather3A_73 = tpu.vector_load_idx %arg9[%get3A_70] : memref<10000xf32, #tpu.memory_space<vmem>>[vector<16xi32>], vector<16xf32>,
      %get3A_74 = arith.index_cast %mul3A_67 : i32 to index
      %get3A_75 = tpu.vector_load %arg12[%get3A_74] {strides = array<i32>} : memref<5008xf32, #tpu.memory_space<vmem>>, vector<16xf32>,
      %add3A_76 = arith.addf %gather3A, %gather3A_72 : vector<16xf32>
      %add3A_77 = arith.addf %get3A_75, %add3A_76 : vector<16xf32>
      %swap3A = arith.index_cast %mul3A_67 : i32 to index
      %swap3A_78 = tpu.vector_load %arg12[%swap3A] {strides = array<i32>} : memref<5008xf32, #tpu.memory_space<vmem>>, vector<16xf32>,
      tpu.vector_store %arg12[%swap3A], %add3A_77 {strides = array<i32>} : memref<5008xf32, #tpu.memory_space<vmem>>, vector<16xf32>,
      %get3A_79 = arith.index_cast %mul3A_67 : i32 to index
      %get3A_80 = tpu.vector_load %arg13[%get3A_79] {strides = array<i32>} : memref<5008xf32, #tpu.memory_space<vmem>>, vector<16xf32>,
      %add3A_81 = arith.addf %gather3A_71, %gather3A_73 : vector<16xf32>
      %add3A_82 = arith.addf %get3A_80, %add3A_81 : vector<16xf32>
      %swap3A_83 = arith.index_cast %mul3A_67 : i32 to index
      %swap3A_84 = tpu.vector_load %arg13[%swap3A_83] {strides = array<i32>} : memref<5008xf32, #tpu.memory_space<vmem>>, vector<16xf32>,
      tpu.vector_store %arg13[%swap3A_83], %add3A_82 {strides = array<i32>} : memref<5008xf32, #tpu.memory_space<vmem>>, vector<16xf32>,
    }
    %while3A_54 = arith.constant 1 : i32
    scf.for %while3A_65 = %while3A_52 to %while3A_48 step %while3A_54  : i32 {
      %mul3A_66 = arith.constant 16 : i32
      %mul3A_67 = arith.muli %while3A_65, %mul3A_66 : i32
      %get3A = arith.index_cast %mul3A_67 : i32 to index
      %get3A_68 = tpu.vector_load %arg10[%get3A] {strides = array<i32>} : memref<5008xi32, #tpu.memory_space<vmem>>, vector<16xi32>,
      %get3A_69 = arith.index_cast %mul3A_67 : i32 to index
      %get3A_70 = tpu.vector_load %arg11[%get3A_69] {strides = array<i32>} : memref<5008xi32, #tpu.memory_space<vmem>>, vector<16xi32>,
      %gather3A = tpu.vector_load_idx %arg6[%get3A_68] : memref<10000xf32, #tpu.memory_space<vmem>>[vector<16xi32>], vector<16xf32>,
      %gather3A_71 = tpu.vector_load_idx %arg7[%get3A_68] : memref<10000xf32, #tpu.memory_space<vmem>>[vector<16xi32>], vector<16xf32>,
      %gather3A_72 = tpu.vector_load_idx %arg8[%get3A_70] : memref<10000xf32, #tpu.memory_space<vmem>>[vector<16xi32>], vector<16xf32>,
      %gather3A_73 = tpu.vector_load_idx %arg9[%get3A_70] : memref<10000xf32, #tpu.memory_space<vmem>>[vector<16xi32>], vector<16xf32>,
      %get3A_74 = arith.index_cast %mul3A_67 : i32 to index
      %get3A_75 = tpu.vector_load %arg12[%get3A_74] {strides = array<i32>} : memref<5008xf32, #tpu.memory_space<vmem>>, vector<16xf32>,
      %add3A_76 = arith.addf %gather3A, %gather3A_72 : vector<16xf32>
      %add3A_77 = arith.addf %get3A_75, %add3A_76 : vector<16xf32>
      %swap3A = arith.index_cast %mul3A_67 : i32 to index
      %swap3A_78 = tpu.vector_load %arg12[%swap3A] {strides = array<i32>} : memref<5008xf32, #tpu.memory_space<vmem>>, vector<16xf32>,
      tpu.vector_store %arg12[%swap3A], %add3A_77 {strides = array<i32>} : memref<5008xf32, #tpu.memory_space<vmem>>, vector<16xf32>,
      %get3A_79 = arith.index_cast %mul3A_67 : i32 to index
      %get3A_80 = tpu.vector_load %arg13[%get3A_79] {strides = array<i32>} : memref<5008xf32, #tpu.memory_space<vmem>>, vector<16xf32>,
      %add3A_81 = arith.addf %gather3A_71, %gather3A_73 : vector<16xf32>
      %add3A_82 = arith.addf %get3A_80, %add3A_81 : vector<16xf32>
      %swap3A_83 = arith.index_cast %mul3A_67 : i32 to index
      %swap3A_84 = tpu.vector_load %arg13[%swap3A_83] {strides = array<i32>} : memref<5008xf32, #tpu.memory_space<vmem>>, vector<16xf32>,
      tpu.vector_store %arg13[%swap3A_83], %add3A_82 {strides = array<i32>} : memref<5008xf32, #tpu.memory_space<vmem>>, vector<16xf32>,
    }
    %lt3A_55 = arith.constant 16 : i32
    %lt3A_56 = arith.cmpi slt, %add3A, %lt3A_55 : i32
    %convert_element_type3A_57 = arith.extui %lt3A_56 : i1 to i32
    %cond3A_58 = arith.constant 0 : i32
    %cond3A_59 = arith.cmpi ne, %convert_element_type3A_57, %cond3A_58 : i32
    scf.if %cond3A_59 {
      "tpu.region"() ({
        %run_scoped3A = tpu.sem_alloc : memref<!tpu.dma_semaphore, #tpu.memory_space<semaphore_mem>>
        %dma_start3A_67 = tpu.memref_slice %arg5[%mul3A_6] : memref<320000xf32, #tpu.memory_space<hbm>> -> memref<5008xf32, #tpu.memory_space<hbm>>
        %dma_start3A_68 = tpu.memref_slice %arg5[%mul3A_6] : memref<320000xf32, #tpu.memory_space<hbm>> -> memref<5008xf32, #tpu.memory_space<hbm>>
        tpu.enqueue_dma source(%arg12 : memref<5008xf32, #tpu.memory_space<vmem>>) target(%dma_start3A_68 : memref<5008xf32, #tpu.memory_space<hbm>>) target_semaphore(%run_scoped3A : memref<!tpu.dma_semaphore, #tpu.memory_space<semaphore_mem>>)
        %dma_wait3A_69 = tpu.memref_slice %arg5[%mul3A_6] : memref<320000xf32, #tpu.memory_space<hbm>> -> memref<5008xf32, #tpu.memory_space<hbm>>
        %dma_wait3A_70 = tpu.memref_slice %arg5[%mul3A_6] : memref<320000xf32, #tpu.memory_space<hbm>> -> memref<5008xf32, #tpu.memory_space<hbm>>
        tpu.wait_dma2 semaphore(%run_scoped3A : memref<!tpu.dma_semaphore, #tpu.memory_space<semaphore_mem>>) src(%arg12 : memref<5008xf32, #tpu.memory_space<vmem>>) dst(%dma_wait3A_70 : memref<5008xf32, #tpu.memory_space<hbm>>)
        tpu.yield
      }) : () -> ()
      %add3A_65 = arith.constant 160000 : i32
      %add3A_66 = arith.addi %add3A_65, %mul3A_6 : i32
      "tpu.region"() ({
        %run_scoped3A = tpu.sem_alloc : memref<!tpu.dma_semaphore, #tpu.memory_space<semaphore_mem>>
        %dma_start3A_67 = tpu.memref_slice %arg5[%add3A_66] : memref<320000xf32, #tpu.memory_space<hbm>> -> memref<5008xf32, #tpu.memory_space<hbm>>
        %dma_start3A_68 = tpu.memref_slice %arg5[%add3A_66] : memref<320000xf32, #tpu.memory_space<hbm>> -> memref<5008xf32, #tpu.memory_space<hbm>>
        tpu.enqueue_dma source(%arg13 : memref<5008xf32, #tpu.memory_space<vmem>>) target(%dma_start3A_68 : memref<5008xf32, #tpu.memory_space<hbm>>) target_semaphore(%run_scoped3A : memref<!tpu.dma_semaphore, #tpu.memory_space<semaphore_mem>>)
        %dma_wait3A_69 = tpu.memref_slice %arg5[%add3A_66] : memref<320000xf32, #tpu.memory_space<hbm>> -> memref<5008xf32, #tpu.memory_space<hbm>>
        %dma_wait3A_70 = tpu.memref_slice %arg5[%add3A_66] : memref<320000xf32, #tpu.memory_space<hbm>> -> memref<5008xf32, #tpu.memory_space<hbm>>
        tpu.wait_dma2 semaphore(%run_scoped3A : memref<!tpu.dma_semaphore, #tpu.memory_space<semaphore_mem>>) src(%arg13 : memref<5008xf32, #tpu.memory_space<vmem>>) dst(%dma_wait3A_70 : memref<5008xf32, #tpu.memory_space<hbm>>)
        tpu.yield
      }) : () -> ()
    } else {
    }
    %ge3A_60 = arith.constant 16 : i32
    %ge3A_61 = arith.cmpi sge, %add3A, %ge3A_60 : i32
    %convert_element_type3A_62 = arith.extui %ge3A_61 : i1 to i32
    %cond3A_63 = arith.constant 0 : i32
    %cond3A_64 = arith.cmpi ne, %convert_element_type3A_62, %cond3A_63 : i32
    scf.if %cond3A_64 {
      "tpu.region"() ({
        %run_scoped3A = tpu.sem_alloc : memref<!tpu.dma_semaphore, #tpu.memory_space<semaphore_mem>>
        %dma_start3A_67 = arith.constant 0 : i32
        %dma_start3A_68 = tpu.memref_slice %arg12[%dma_start3A_67] : memref<5008xf32, #tpu.memory_space<vmem>> -> memref<4992xf32, #tpu.memory_space<vmem>>
        %dma_start3A_69 = tpu.memref_slice %arg5[%mul3A_6] : memref<320000xf32, #tpu.memory_space<hbm>> -> memref<4992xf32, #tpu.memory_space<hbm>>
        %dma_start3A_70 = tpu.memref_slice %arg5[%mul3A_6] : memref<320000xf32, #tpu.memory_space<hbm>> -> memref<4992xf32, #tpu.memory_space<hbm>>
        %dma_start3A_71 = arith.constant 0 : i32
        %dma_start3A_72 = tpu.memref_slice %arg12[%dma_start3A_71] : memref<5008xf32, #tpu.memory_space<vmem>> -> memref<4992xf32, #tpu.memory_space<vmem>>
        tpu.enqueue_dma source(%dma_start3A_72 : memref<4992xf32, #tpu.memory_space<vmem>>) target(%dma_start3A_70 : memref<4992xf32, #tpu.memory_space<hbm>>) target_semaphore(%run_scoped3A : memref<!tpu.dma_semaphore, #tpu.memory_space<semaphore_mem>>)
        %dma_wait3A_73 = arith.constant 0 : i32
        %dma_wait3A_74 = tpu.memref_slice %arg12[%dma_wait3A_73] : memref<5008xf32, #tpu.memory_space<vmem>> -> memref<4992xf32, #tpu.memory_space<vmem>>
        %dma_wait3A_75 = tpu.memref_slice %arg5[%mul3A_6] : memref<320000xf32, #tpu.memory_space<hbm>> -> memref<4992xf32, #tpu.memory_space<hbm>>
        %dma_wait3A_76 = tpu.memref_slice %arg5[%mul3A_6] : memref<320000xf32, #tpu.memory_space<hbm>> -> memref<4992xf32, #tpu.memory_space<hbm>>
        %dma_wait3A_77 = arith.constant 0 : i32
        %dma_wait3A_78 = tpu.memref_slice %arg12[%dma_wait3A_77] : memref<5008xf32, #tpu.memory_space<vmem>> -> memref<4992xf32, #tpu.memory_space<vmem>>
        tpu.wait_dma2 semaphore(%run_scoped3A : memref<!tpu.dma_semaphore, #tpu.memory_space<semaphore_mem>>) src(%dma_wait3A_78 : memref<4992xf32, #tpu.memory_space<vmem>>) dst(%dma_wait3A_76 : memref<4992xf32, #tpu.memory_space<hbm>>)
        tpu.yield
      }) : () -> ()
      %add3A_65 = arith.constant 160000 : i32
      %add3A_66 = arith.addi %add3A_65, %mul3A_6 : i32
      "tpu.region"() ({
        %run_scoped3A = tpu.sem_alloc : memref<!tpu.dma_semaphore, #tpu.memory_space<semaphore_mem>>
        %dma_start3A_67 = arith.constant 0 : i32
        %dma_start3A_68 = tpu.memref_slice %arg13[%dma_start3A_67] : memref<5008xf32, #tpu.memory_space<vmem>> -> memref<4992xf32, #tpu.memory_space<vmem>>
        %dma_start3A_69 = tpu.memref_slice %arg5[%add3A_66] : memref<320000xf32, #tpu.memory_space<hbm>> -> memref<4992xf32, #tpu.memory_space<hbm>>
        %dma_start3A_70 = tpu.memref_slice %arg5[%add3A_66] : memref<320000xf32, #tpu.memory_space<hbm>> -> memref<4992xf32, #tpu.memory_space<hbm>>
        %dma_start3A_71 = arith.constant 0 : i32
        %dma_start3A_72 = tpu.memref_slice %arg13[%dma_start3A_71] : memref<5008xf32, #tpu.memory_space<vmem>> -> memref<4992xf32, #tpu.memory_space<vmem>>
        tpu.enqueue_dma source(%dma_start3A_72 : memref<4992xf32, #tpu.memory_space<vmem>>) target(%dma_start3A_70 : memref<4992xf32, #tpu.memory_space<hbm>>) target_semaphore(%run_scoped3A : memref<!tpu.dma_semaphore, #tpu.memory_space<semaphore_mem>>)
        %dma_wait3A_73 = arith.constant 0 : i32
        %dma_wait3A_74 = tpu.memref_slice %arg13[%dma_wait3A_73] : memref<5008xf32, #tpu.memory_space<vmem>> -> memref<4992xf32, #tpu.memory_space<vmem>>
        %dma_wait3A_75 = tpu.memref_slice %arg5[%add3A_66] : memref<320000xf32, #tpu.memory_space<hbm>> -> memref<4992xf32, #tpu.memory_space<hbm>>
        %dma_wait3A_76 = tpu.memref_slice %arg5[%add3A_66] : memref<320000xf32, #tpu.memory_space<hbm>> -> memref<4992xf32, #tpu.memory_space<hbm>>
        %dma_wait3A_77 = arith.constant 0 : i32
        %dma_wait3A_78 = tpu.memref_slice %arg13[%dma_wait3A_77] : memref<5008xf32, #tpu.memory_space<vmem>> -> memref<4992xf32, #tpu.memory_space<vmem>>
        tpu.wait_dma2 semaphore(%run_scoped3A : memref<!tpu.dma_semaphore, #tpu.memory_space<semaphore_mem>>) src(%dma_wait3A_78 : memref<4992xf32, #tpu.memory_space<vmem>>) dst(%dma_wait3A_76 : memref<4992xf32, #tpu.memory_space<hbm>>)
        tpu.yield
      }) : () -> ()
    } else {
    }
    return
  }
}

module attributes {stable_mosaic.version = 14 : i64} {
  func.func @_proj_edges_body(%arg0: i32, %arg1: memref<16x16000xf32, #tpu.memory_space<vmem>>, %arg2: memref<2x16xf32, #tpu.memory_space<vmem>>, %arg3: memref<2x128xf32, #tpu.memory_space<vmem>>, %arg4: memref<2x16000xf32, #tpu.memory_space<vmem>>) attributes {dimension_semantics = [#tpu.dimension_semantics<arbitrary>], iteration_bounds = array<i64: 10>, scalar_prefetch = 0 : i64, scratch_operands = 0 : i64, tpu.core_type = #tpu.core_type<tc>, window_params = [{transform_indices = @transform_0, window_bounds = array<i64: 16, 16000>}, {pipeline_mode = #tpu.pipeline_mode<synchronous>, transform_indices = @transform_1, window_bounds = array<i64: 2, 16>}, {pipeline_mode = #tpu.pipeline_mode<synchronous>, transform_indices = @transform_2, window_bounds = array<i64: 2, 128>}, {transform_indices = @transform_3, window_bounds = array<i64: 2, 16000>}]} {
    %get3A = arith.constant 0 : index
    %get3A_0 = arith.constant 0 : index
    %get3A_1 = vector.load %arg2[%get3A, %get3A_0] : memref<2x16xf32, #tpu.memory_space<vmem>>, vector<2x16xf32>
    %get3A_2 = arith.constant 0 : index
    %get3A_3 = arith.constant 0 : index
    %get3A_4 = vector.load %arg1[%get3A_2, %get3A_3] : memref<16x16000xf32, #tpu.memory_space<vmem>>, vector<16x16000xf32>
    %dot_general3A = arith.constant dense<0.000000e+00> : vector<2x16000xf32>
    %dot_general3A_5 = tpu.matmul %get3A_1, %get3A_4, %dot_general3A {dimension_numbers = #tpu.dot_dimension_numbers<[1], [0], [0], [1], [0, 0, 1, 1], [], []>, transpose_lhs_hint = false} : vector<2x16xf32>, vector<16x16000xf32>, vector<2x16000xf32> -> vector<2x16000xf32>
    %get3A_6 = arith.constant 0 : index
    %get3A_7 = arith.constant 0 : index
    %get3A_8 = vector.load %arg3[%get3A_6, %get3A_7] : memref<2x128xf32, #tpu.memory_space<vmem>>, vector<2x1xf32>
    %add3A = vector.broadcast %get3A_8 : vector<2x1xf32> to vector<2x16000xf32>
    %add3A_9 = arith.addf %dot_general3A_5, %add3A : vector<2x16000xf32>
    %swap3A = arith.constant 0 : index
    %swap3A_10 = arith.constant 0 : index
    %swap3A_11 = vector.load %arg4[%swap3A, %swap3A_10] : memref<2x16000xf32, #tpu.memory_space<vmem>>, vector<2x16000xf32>
    tpu.vector_store %arg4[%swap3A, %swap3A_10], %add3A_9 {strides = array<i32>} : memref<2x16000xf32, #tpu.memory_space<vmem>>, vector<2x16000xf32>,
    return
  }
  func.func @transform_0(%arg0: i32) -> (i32, i32) {
    %c0_i32 = arith.constant 0 : i32
    %c0_i32_0 = arith.constant 0 : i32
    return %c0_i32, %arg0 : i32, i32
  }
  func.func @transform_1(%arg0: i32) -> (i32, i32) {
    %c0_i32 = arith.constant 0 : i32
    %c0_i32_0 = arith.constant 0 : i32
    %c0_i32_1 = arith.constant 0 : i32
    return %c0_i32, %c0_i32_0 : i32, i32
  }
  func.func @transform_2(%arg0: i32) -> (i32, i32) {
    %c0_i32 = arith.constant 0 : i32
    %c0_i32_0 = arith.constant 0 : i32
    %c0_i32_1 = arith.constant 0 : i32
    return %c0_i32, %c0_i32_0 : i32, i32
  }
  func.func @transform_3(%arg0: i32) -> (i32, i32) {
    %c0_i32 = arith.constant 0 : i32
    %c0_i32_0 = arith.constant 0 : i32
    return %c0_i32, %arg0 : i32, i32
  }
}

module attributes {stable_mosaic.version = 14 : i64} {
  func.func @_proj_nodes_body(%arg0: i32, %arg1: memref<2560x256xf32, #tpu.memory_space<vmem>>, %arg2: memref<2560x256xf32, #tpu.memory_space<vmem>>, %arg3: memref<2x256xf32, #tpu.memory_space<vmem>>, %arg4: memref<2x256xf32, #tpu.memory_space<vmem>>, %arg5: memref<4x2560xf32, #tpu.memory_space<vmem>>) attributes {dimension_semantics = [#tpu.dimension_semantics<arbitrary>], iteration_bounds = array<i64: 4>, scalar_prefetch = 0 : i64, scratch_operands = 0 : i64, tpu.core_type = #tpu.core_type<tc>, window_params = [{transform_indices = @transform_0, window_bounds = array<i64: 2560, 256>}, {transform_indices = @transform_1, window_bounds = array<i64: 2560, 256>}, {pipeline_mode = #tpu.pipeline_mode<synchronous>, transform_indices = @transform_2, window_bounds = array<i64: 2, 256>}, {pipeline_mode = #tpu.pipeline_mode<synchronous>, transform_indices = @transform_3, window_bounds = array<i64: 2, 256>}, {transform_indices = @transform_4, window_bounds = array<i64: 4, 2560>}]} {
    %get3A = arith.constant 0 : index
    %get3A_0 = arith.constant 0 : index
    %get3A_1 = vector.load %arg3[%get3A, %get3A_0] : memref<2x256xf32, #tpu.memory_space<vmem>>, vector<2x256xf32>
    %get3A_2 = arith.constant 0 : index
    %get3A_3 = arith.constant 0 : index
    %get3A_4 = vector.load %arg1[%get3A_2, %get3A_3] : memref<2560x256xf32, #tpu.memory_space<vmem>>, vector<2560x256xf32>
    %dot_general3A = arith.constant dense<0.000000e+00> : vector<2x2560xf32>
    %dot_general3A_5 = tpu.matmul %get3A_1, %get3A_4, %dot_general3A {dimension_numbers = #tpu.dot_dimension_numbers<[1], [1], [0], [0], [0, 0, 1, 0], [], []>, transpose_lhs_hint = false} : vector<2x256xf32>, vector<2560x256xf32>, vector<2x2560xf32> -> vector<2x2560xf32>
    %get3A_6 = arith.constant 0 : index
    %get3A_7 = arith.constant 0 : index
    %get3A_8 = vector.load %arg4[%get3A_6, %get3A_7] : memref<2x256xf32, #tpu.memory_space<vmem>>, vector<2x256xf32>
    %get3A_9 = arith.constant 0 : index
    %get3A_10 = arith.constant 0 : index
    %get3A_11 = vector.load %arg2[%get3A_9, %get3A_10] : memref<2560x256xf32, #tpu.memory_space<vmem>>, vector<2560x256xf32>
    %dot_general3A_12 = arith.constant dense<0.000000e+00> : vector<2x2560xf32>
    %dot_general3A_13 = tpu.matmul %get3A_8, %get3A_11, %dot_general3A_12 {dimension_numbers = #tpu.dot_dimension_numbers<[1], [1], [0], [0], [0, 0, 1, 0], [], []>, transpose_lhs_hint = false} : vector<2x256xf32>, vector<2560x256xf32>, vector<2x2560xf32> -> vector<2x2560xf32>
    %swap3A = arith.constant 0 : index
    %swap3A_14 = arith.constant 0 : index
    %swap3A_15 = vector.load %arg5[%swap3A, %swap3A_14] : memref<4x2560xf32, #tpu.memory_space<vmem>>, vector<2x2560xf32>
    tpu.vector_store %arg5[%swap3A, %swap3A_14], %dot_general3A_5 {strides = array<i32>} : memref<4x2560xf32, #tpu.memory_space<vmem>>, vector<2x2560xf32>,
    %swap3A_16 = arith.constant 2 : index
    %swap3A_17 = arith.constant 0 : index
    %swap3A_18 = vector.load %arg5[%swap3A_16, %swap3A_17] : memref<4x2560xf32, #tpu.memory_space<vmem>>, vector<2x2560xf32>
    tpu.vector_store %arg5[%swap3A_16, %swap3A_17], %dot_general3A_13 {strides = array<i32>} : memref<4x2560xf32, #tpu.memory_space<vmem>>, vector<2x2560xf32>,
    return
  }
  func.func @transform_0(%arg0: i32) -> (i32, i32) {
    %c0_i32 = arith.constant 0 : i32
    %c0_i32_0 = arith.constant 0 : i32
    return %arg0, %c0_i32 : i32, i32
  }
  func.func @transform_1(%arg0: i32) -> (i32, i32) {
    %c0_i32 = arith.constant 0 : i32
    %c0_i32_0 = arith.constant 0 : i32
    return %arg0, %c0_i32 : i32, i32
  }
  func.func @transform_2(%arg0: i32) -> (i32, i32) {
    %c0_i32 = arith.constant 0 : i32
    %c0_i32_0 = arith.constant 0 : i32
    %c0_i32_1 = arith.constant 0 : i32
    return %c0_i32, %c0_i32_0 : i32, i32
  }
  func.func @transform_3(%arg0: i32) -> (i32, i32) {
    %c0_i32 = arith.constant 0 : i32
    %c0_i32_0 = arith.constant 0 : i32
    %c0_i32_1 = arith.constant 0 : i32
    return %c0_i32, %c0_i32_0 : i32, i32
  }
  func.func @transform_4(%arg0: i32) -> (i32, i32) {
    %c0_i32 = arith.constant 0 : i32
    %c0_i32_0 = arith.constant 0 : i32
    return %c0_i32, %arg0 : i32, i32
  }
}

</mosaic_0001>

<sc_bundles>
// kernel: kernel.5.cloned.1.call-start
scs
__scs_entry_jumppad:
0x0: {  	(pc) =	sbr.rel $0x88, $3  }
0x1: {  	(tag) =	ssettag $0x0;
	lr =	simm.s32 $0x1  }
0x2: {  	[smem:$0x3F9B] =	sst lr;
	_ =	strace $0xD0000000  }
0x3: {  	_ = 	snop  }
0x4: {  	_ = 	snop  }
0x5: {  	_ = 	snop  }
0x6: {  	_ = 	snop  }
0x7: {  	_ = 	snop  }
__scs_overlays_trampoline_lowered:
0x8: {  	[smem:$0x3FAA] =	sst s0  }
0x9: {  	[smem:$0x3FAB] =	sst s1  }
0xa: {  	[smem:$0x3FAC] =	sst s2  }
0xb: {  	[smem:$0x3FAD] =	sst s3  }
0xc: {  	[smem:$0x3FAE] =	sst s4  }
0xd: {  	[smem:$0x3FAF] =	sst s5  }
0xe: {  	[smem:$0x3FB0] =	sst s6  }
0xf: {  	[smem:$0x3FB1] =	sst s7  }
0x10: {  	[smem:$0x3FB2] =	sst s8  }
0x11: {  	[smem:$0x3FB3] =	sst s9;
	s0 =	simm.s32 @!p0 $0x0  }
0x12: {  	s1 =	sld [smem:$0x3F99];
	s0 =	simm.s32 @p0 $0x1  }
0x13: {  	[smem:$0x3FB4] =	sst s0;
	s0 =	simm.s32 @!p1 $0x0  }
0x14: {  	s2 =	sld [smem:$0x3F98];
	s0 =	simm.s32 @p1 $0x1  }
0x15: {  	[smem:$0x3FB5] =	sst s0;
	s0 =	simm.s32 @!p2 $0x0  }
0x16: {  	s3 =	sld [smem:$0x3FDB];
	s0 =	simm.s32 @p2 $0x1  }
0x17: {  	s4 =	simm.s32 $0x1BF5;
	[smem:$0x3FB7] =	sst s0  }
0x18: {  	s0 =	sld [smem:$0x3F9A];
	_ =	swait.ge [sflag:s4], $0x0  }
0x19: {  	s7 =	sld [smem:$0x3F9B]  }
0x1a: {  	s8 =	sadd.s32 $0xFFFFE003, lr  }
0x1b: {  	s9 =	sadd.s32 $0xFFFFFEF7, lr;
	s5 =	simm.s32 $0xFFFFFFFF;
	p2 =	slt.u32 s8, $0xFFFFF086  }
0x1c: {  	p1 =	slt.u32 s9, $0xF7A;
	s5 =	simm.s32 @!p2 $0x0  }
0x1d: {  	s5 =	simm.s32 @p1 $0x1;
	p0 =	seq.s32 s7, s2  }
0x1e: {  	s7 =	smul.u32 @!p0 $0xF7A, s2;
	p2 =	seq.s32 @!p0 s5, $0x0  }
0x1f: {  	s9 =	smul.u32 $0xF7A, s1;
	s8 =	simm.s32 @!p0 $0x1BF5;
	p2 =	por !p2, p0  }
0x20: {  	[sflag:s8] =	ssyncset.s32 @!p0 $0xFFFFF086;
	s6 =	sadd.s32 @!p0 s3, s7;
	s7 =	simm.s32 @!p0 $0x108  }
0x21: {  	s3 =	sadd.s32 s3, s9;
	s6 =	sadd.s32 @!p0 $0x88, s6;
	s7 =	simm.s32 @p2 $0x1082  }
0x22: {  	[simem:s7], [sflag:s8] =	dma.local @!p0 [hbm:s6], $0xF7A  }
0x23: {  	s9 =	sor.u32 $0xD0000000, s2;
	s6 =	simm.s32 $0x108;
	_ =	swait.ge @!p0 [sflag:s8], $0x0  }
0x24: {  	s3 =	sadd.s32 $0x88, s3;
	s6 =	simm.s32 @!p1 $0x1082;
	[sflag:s4] =	ssyncset.s32 $0xFFFFF086  }
0x25: {  	[simem:s6], [sflag:s4] =	dma.local [hbm:s3], $0xF7A  }
0x26: {  	[smem:$0x3F9B] =	sst s1;
	(tag) =	ssettag s2;
	_ =	strace s9  }
0x27: {  	s1 =	sld [smem:$0x3FAB]  }
0x28: {  	s2 =	sld [smem:$0x3FAC]  }
0x29: {  	s4 =	sld [smem:$0x3FAE]  }
0x2a: {  	p0 =	seq.s32 s5, $0x0;
	s5 =	sld [smem:$0x3FAF]  }
0x2b: {  	s6 =	sld [smem:$0x3FB0]  }
0x2c: {  	s7 =	sld [smem:$0x3FB1]  }
0x2d: {  	s3 =	simm.s32 $0x108;
	s8 =	sld [smem:$0x3FB2]  }
0x2e: {  	s3 =	simm.s32 @!p0 $0x1082;
	s9 =	sld [smem:$0x3FB3]  }
0x2f: {  	lr =	sadd.s32 s0, s3;
	s0 =	sld [smem:$0x3FAA]  }
0x30: {  	s3 =	sld [smem:$0x3FAD]  }
0x31: {  	[smem:$0x3FB6] =	sst s10  }
0x32: {  	s10 =	sld [smem:$0x3FB4];
	_ =	sdelay $0x3  }
0x33: {  	p0 =	seq.s32 s10, $0x1;
	s10 =	sld [smem:$0x3FB6];
	_ =	sdelay $0x3  }
0x34: {  	[smem:$0x3FB6] =	sst s10  }
0x35: {  	s10 =	sld [smem:$0x3FB5];
	_ =	sdelay $0x3  }
0x36: {  	p1 =	seq.s32 s10, $0x1;
	s10 =	sld [smem:$0x3FB6];
	_ =	sdelay $0x3  }
0x37: {  	[smem:$0x3FB6] =	sst s10  }
0x38: {  	s10 =	sld [smem:$0x3FB7]  }
0x39: {  	_ = 	snop;
	(pc) =	sbr.ind lr, $3  }
0x3a: {  	_ = 	snop  }
0x3b: {  	_ = 	snop  }
0x3c: {  	p2 =	seq.s32 s10, $0x1;
	s10 =	sld [smem:$0x3FB6]  }
0x3d: {  	_ =	shalt  }
0x3e: {  	_ =	shalt  }
0x3f: {  	_ =	shalt  }
0x40: {  	_ =	shalt  }
0x41: {  	_ =	shalt  }
0x42: {  	_ =	shalt  }
0x43: {  	_ =	shalt  }
0x44: {  	_ =	shalt  }
0x45: {  	_ =	shalt  }
0x46: {  	_ =	shalt  }
0x47: {  	_ =	shalt  }
0x48: {  	_ =	shalt  }
0x49: {  	_ =	shalt  }
0x4a: {  	_ =	shalt  }
0x4b: {  	_ =	shalt  }
0x4c: {  	_ =	shalt  }
0x4d: {  	_ =	shalt  }
0x4e: {  	_ =	shalt  }
0x4f: {  	_ =	shalt  }
0x50: {  	_ =	shalt  }
0x51: {  	_ =	shalt  }
0x52: {  	_ =	shalt  }
0x53: {  	_ =	shalt  }
0x54: {  	_ =	shalt  }
0x55: {  	_ =	shalt  }
0x56: {  	_ =	shalt  }
0x57: {  	_ =	shalt  }
0x58: {  	_ =	shalt  }
0x59: {  	_ =	shalt  }
0x5a: {  	_ =	shalt  }
0x5b: {  	_ =	shalt  }
0x5c: {  	_ =	shalt  }
0x5d: {  	_ =	shalt  }
0x5e: {  	_ =	shalt  }
0x5f: {  	_ =	shalt  }
0x60: {  	_ =	shalt  }
0x61: {  	_ =	shalt  }
0x62: {  	_ =	shalt  }
0x63: {  	_ =	shalt  }
0x64: {  	_ =	shalt  }
0x65: {  	_ =	shalt  }
0x66: {  	_ =	shalt  }
0x67: {  	_ =	shalt  }
0x68: {  	_ =	shalt  }
0x69: {  	_ =	shalt  }
0x6a: {  	_ =	shalt  }
0x6b: {  	_ =	shalt  }
0x6c: {  	_ =	shalt  }
0x6d: {  	_ =	shalt  }
0x6e: {  	_ =	shalt  }
0x6f: {  	_ =	shalt  }
0x70: {  	_ =	shalt  }
0x71: {  	_ =	shalt  }
0x72: {  	_ =	shalt  }
0x73: {  	_ =	shalt  }
0x74: {  	_ =	shalt  }
0x75: {  	_ =	shalt  }
0x76: {  	_ =	shalt  }
0x77: {  	_ =	shalt  }
0x78: {  	_ =	shalt  }
0x79: {  	_ =	shalt  }
0x7a: {  	_ =	shalt  }
0x7b: {  	_ =	shalt  }
0x7c: {  	_ =	shalt  }
0x7d: {  	_ =	shalt  }
0x7e: {  	_ =	shalt  }
0x7f: {  	_ =	shalt  }
0x80: {  	_ =	shalt  }
0x81: {  	_ =	shalt  }
0x82: {  	_ =	shalt  }
0x83: {  	_ =	shalt  }
0x84: {  	_ =	shalt  }
0x85: {  	_ =	shalt  }
0x86: {  	_ =	shalt  }
0x87: {  	_ =	shalt  }
.Lfunc_end0:
.L_simem_size_0:
called_computation_lowered:
.L_overlay_start_0:
0x88: {  	s2 =	sld [smem:$0x3FD9]  }
0x89: {  	s3 =	sld [smem:$0x3FFE];
	_ =	sdelay $0x1  }
0x8a: {  	s1 =	srdreg.scid  }
0x8b: {  	s0 =	sand.u32 $0x1, s1  }
0x8c: {  	s17 =	sshll.u32 s0, $0xA;
	s2 =	sadd.s32 s3, s2  }
0x8d: {  	s2 =	sadd.s32 s2, s17  }
0x8e: {  	[smem:$0x3FC2] =	sst s2  }
0x8f: {  	_ = 	snop  }
0x90: {  	s2 =	sld [smem:$0x3FD0];
	(tm) =	ssettm $0x1  }
0x91: {  	s18 =	sld [smem:$0x3FFB];
	_ =	sdelay $0x3  }
0x92: {  	_ =	strace s18  }
0x93: {  	s3 =	sld [smem:$0x3FFC];
	_ =	sdelay $0x3  }
0x94: {  	_ =	strace s3  }
0x95: {  	s3 =	sld [smem:$0x3FFD];
	_ =	sdelay $0x3  }
0x96: {  	_ =	strace s3  }
0x97: {  	_ =	strace $0x8FFFFFFF  }
0x98: {  	s19 =	sld [smem:$0x3FDB];
	_ =	sdelay $0x1  }
0x99: {  	s4 =	simm.s32 $_scs_section_size  }
0x9a: {  	s5 =	simm.s32 $_size__tile_overlayer_lowered;
	s6 =	simm.s32 $_tile_overlayer_lowered  }
0x9b: {  	s22 =	simm.s32 $0x1BFF;
	s21 =	sshll.u32 s6, $0x1;
	s3 =	sadd.s32 s4, s19  }
0x9c: {  	s7 =	simm.s32 $0x0;
	s20 =	sshll.u32 s5, $0x1;
	s5 =	sadd.s32 s21, s3  }
0x9d: {  	[timem:s7], [sflag:s22] =	dma.local [hbm:s5], s20  }
0x9e: {  	_ =	swait.ge [sflag:s22], s20  }
0x9f: {  	s4 =	ssub.s32 $0x0, s20;
	[sflag:s22] =	ssyncset.done $0x0  }
0xa0: {  	[sflag:s22] =	ssyncadd.s32 s4;
	_ =	sdelay $0x1  }
0xa1: {  	s23 =	simm.s32 $0x1B8B  }
0xa2: {  	_ =	swait.ge [sflag:s23], $0x1  }
0xa3: {  	[sflag:s23] =	ssyncset.done $0x0  }
0xa4: {  	s25 =	simm.s32 $0x1B8E;
	s24 =	sld [smem:$0x3FFE];
	[sflag:s23] =	ssyncadd.s32 $0xFFFFFFFF  }
0xa5: {  	s26 =	simm.s32 $execute0_lowered;
	[smem:$0x3FD2] =	sst s25  }
0xa6: {  	s5 =	sshll.u32 s26, $0x1;
	_ =	strace $0x80000046;
	[dreg:$0x1] =	wrdreg $0xFFFFFFFF  }
0xa7: {  	s28 =	simm.s32 $_size_execute0_lowered;
	s3 =	sadd.s32 s3, s5;
	[dreg:$0x0] =	wrdreg $0x0  }
0xa8: {  	s5 =	sshll.u32 s28, $0x1;
	[dreg:$0x2] =	wrdreg s3  }
0xa9: {  	[dreg:$0x3] =	wrdreg s5  }
0xaa: {  	[dreg:$0x4] =	wrdreg $0xC0  }
0xab: {  	_ =	task [dreg:s7], $0x5FFFF  }
0xac: {  	[dreg:$0x1] =	wrdreg $0xFFFFFFFF  }
0xad: {  	[dreg:$0x0] =	wrdreg $0x60  }
0xae: {  	[dreg:$0x2] =	wrdreg s2  }
0xaf: {  	[dreg:$0x3] =	wrdreg s24  }
0xb0: {  	[dreg:$0x4] =	wrdreg $0x9  }
0xb1: {  	_ =	task.clear_ibuf [dreg:s7], $0x5FFFF;
	_ =	strace $0x90000046  }
0xb2: {  	s29 =	simm.s32 $0x9;
	_ =	strace $0x80000048  }
0xb3: {  	_ =	swait.ge [sflag:s29], $0x1  }
0xb4: {  	[sflag:s29] =	ssyncadd.s32 $0xFFFFFFFF  }
0xb5: {  	_ =	strace $0x90000048  }
0xb6: {  	_ =	sfence  }
0xb7: {  	s30 =	sld [smem:$0x0];
	_ =	sdelay $0x2  }
0xb8: {  	s31 =	sshll.u32 s1, $0xD;
	s1 =	sshrl.u32 s1, $0x2  }
0xb9: {  	s3 =	sand.u32 $0x4000, s31;
	s1 =	sadd.s32 s1, s30  }
0xba: {  	s0 =	sor.u32 s3, s0;
	s1 =	sshll.u32 s1, $0x11  }
0xbb: {  	s0 =	sor.u32 s1, s0  }
0xbc: {  	s0 =	sadd.s32 $0x8F2B, s0  }
0xbd: {  	[sflag:s0] =	ssyncadd.remote.s32 $0x1  }
0xbe: {  	_ =	sfence.sel $0xFFFF  }
0xbf: {  	[dreg:$0x0] =	wrdreg $0xFFFFFFFF;
	(pc) =	sbr.abs _section_cstart, $3  }
0xc0: {  	[dreg:$0x1] =	wrdreg $0xFFFFFFFF  }
0xc1: {  	_ =	task.clear_ibuf [dreg:s7], $0x2FFFF;
	_ =	strace $0x9FFFFFFF  }
0xc2: {  	(tm) =	ssettm $0x7FFFFFFF  }
0xc3: {  	_ =	shalt  }
tec
execute0_lowered:
.L_overlay_start_1:
0x0: {  	(tag) =	ssettag $0x1  }
0x1: {  	s1 =	rddreg [dreg:$0x0]  }
0x2: {  	s0 =	rddreg [dreg:$0x1];
	s3 =	simm.s32 $0x0;
	s2 =	srdreg.scid  }
0x3: {  	s14 =	stileid.u32;
	s15 =	simm.s32 $0x4F00;
	s16 =	simm.s32 $0x7680  }
0x4: {  	s17 =	simm.s32 $0x1;
	s18 =	simm.s32 $0x0;
	[smem:$0x7FF] =	sst s3  }
0x5: {  	s2 =	sand.u32 $0x1, s2;
	s4 =	sshll.u32 s14, $0x1;
	s8 =	sadd.s32 $0xAE00, s0  }
0x6: {  	s10 =	sadd.s32 $0x1000, s0;
	s0 =	sadd.s32 $0x14C00, s0;
	s4 =	sor.u32 s2, s4  }
0x7: {  	p0 =	sgt.u32 s14, $0x7;
	s2 =	ssub.s32 $0x2, s2;
	s5 =	smul.u32 $0x138, s4  }
0x8: {  	s14 =	simm.s32 $0x2780;
	s6 =	sshrl.u32 s2, $0x1;
	s4 =	smin.u32 s4, $0x10  }
0x9: {  	_ =	strace $0x80000047;
	s2 =	ssub.s32 s2, s6;
	s4 =	sadd.s32 s4, s5  }
0xa: {  	s6 =	sadd.s32 $0xEA6, s1;
	s5 =	sadd.s32 $0x9C4, s1;
	s11 =	sshll.u32 s4, $0x1  }
0xb: {  	s13 =	smax.u32 s2, $0x1;
	s4 =	sadd.s32 $0x4E2, s1;
	s7 =	sadd.s32 s8, s11  }
0xc: {  	s12 =	sadd.s32 $0x4E20, s11;
	s9 =	sadd.s32 s10, s11;
	s11 =	sadd.s32 s0, s11  }
0xd: {  	s8 =	sadd.s32 s8, s12;
	s10 =	sadd.s32 s10, s12;
	s12 =	sadd.s32 s0, s12  }
.LBB2_1:
0xe: {  	[tilespmem:s3], [sflag:$0x1] =	stream.linear.gather [hbm4b:s1+s3], $0x2710, $0x38;
	[tilespmem:$0xEE00] =	vst v63  }
0xf: {  	_ = 	snop  }
0x10: {  	[tilespmem:s14], [sflag:$0x1] =	stream.linear.gather [hbm4b:s4+s3], $0x2710, $0x38;
	[tilespmem:$0xEE00] =	vst v63  }
0x11: {  	_ = 	snop  }
0x12: {  	[tilespmem:s15], [sflag:$0x1] =	stream.linear.gather [hbm4b:s5+s3], $0x2710, $0x38;
	[tilespmem:$0xEE00] =	vst v63  }
0x13: {  	_ = 	snop  }
0x14: {  	[tilespmem:s16], [sflag:$0x1] =	stream.linear.gather [hbm4b:s6+s3], $0x2710, $0x38;
	[tilespmem:$0xEE00] =	vst v63  }
0x15: {  	s19 =	simm.s32 @p0 $0x0;
	s0 =	simm.s32 @p0 $0x9E00;
	s20 =	simm.s32 @p0 $0x2  }
0x16: {  	[tilespmem:s0], [sflag:$0x2] =	stream.linear.gather @p0 [hbm4b:s7+s19], $0x1380, $0x38;
	[tilespmem:$0xEE00] =	vst v63  }
0x17: {  	_ =	swait.ge @p0 [sflag:s20], $0x1380  }
0x18: {  	[sflag:s20] =	ssyncset.done @p0 $0x0  }
0x19: {  	s0 =	simm.s32 @p0 $0xB200;
	[sflag:s20] =	ssyncadd.s32 @p0 $0xFFFFEC80  }
0x1a: {  	[tilespmem:s0], [sflag:$0x2] =	stream.linear.gather @p0 [hbm4b:s8+s19], $0x1380, $0x38;
	[tilespmem:$0xEE00] =	vst v63  }
0x1b: {  	_ =	swait.ge @p0 [sflag:s20], $0x1380  }
0x1c: {  	[sflag:s20] =	ssyncset.done @p0 $0x0  }
0x1d: {  	s23 =	simm.s32 @p0 $0xC600;
	[sflag:s20] =	ssyncadd.s32 @p0 $0xFFFFEC80  }
0x1e: {  	[tilespmem:s23], [sflag:$0x2] =	stream.linear.gather @p0 [hbm4b:s9+s19], $0x1380, $0x38;
	[tilespmem:$0xEE00] =	vst v63  }
0x1f: {  	_ =	swait.ge @p0 [sflag:s20], $0x1380  }
0x20: {  	[sflag:s20] =	ssyncset.done @p0 $0x0  }
0x21: {  	s24 =	simm.s32 @p0 $0xDA00;
	[sflag:s20] =	ssyncadd.s32 @p0 $0xFFFFEC80  }
0x22: {  	[tilespmem:s24], [sflag:$0x2] =	stream.linear.gather @p0 [hbm4b:s10+s19], $0x1380, $0x38;
	[tilespmem:$0xEE00] =	vst v63  }
0x23: {  	_ =	swait.ge @p0 [sflag:s20], $0x1380  }
0x24: {  	s22 =	simm.s32 @!p0 $0x0;
	[sflag:s20] =	ssyncset.done @p0 $0x0  }
0x25: {  	s21 =	simm.s32 @!p0 $0x2;
	s0 =	simm.s32 @!p0 $0x9E00;
	[sflag:s20] =	ssyncadd.s32 @p0 $0xFFFFEC80  }
0x26: {  	[tilespmem:s0], [sflag:$0x2] =	stream.linear.gather @!p0 [hbm4b:s7+s22], $0x1390, $0x38;
	[tilespmem:$0xEE00] =	vst v63  }
0x27: {  	_ =	swait.ge @!p0 [sflag:s21], $0x1390  }
0x28: {  	[sflag:s21] =	ssyncset.done @!p0 $0x0  }
0x29: {  	s0 =	simm.s32 @!p0 $0xB200;
	[sflag:s21] =	ssyncadd.s32 @!p0 $0xFFFFEC70  }
0x2a: {  	[tilespmem:s0], [sflag:$0x2] =	stream.linear.gather @!p0 [hbm4b:s8+s22], $0x1390, $0x38;
	[tilespmem:$0xEE00] =	vst v63  }
0x2b: {  	_ =	swait.ge @!p0 [sflag:s21], $0x1390  }
0x2c: {  	[sflag:s21] =	ssyncset.done @!p0 $0x0  }
0x2d: {  	s25 =	simm.s32 @!p0 $0xC600;
	[sflag:s21] =	ssyncadd.s32 @!p0 $0xFFFFEC70  }
0x2e: {  	[tilespmem:s25], [sflag:$0x2] =	stream.linear.gather @!p0 [hbm4b:s9+s22], $0x1390, $0x38;
	[tilespmem:$0xEE00] =	vst v63  }
0x2f: {  	_ =	swait.ge @!p0 [sflag:s21], $0x1390  }
0x30: {  	[sflag:s21] =	ssyncset.done @!p0 $0x0  }
0x31: {  	s26 =	simm.s32 @!p0 $0xDA00;
	[sflag:s21] =	ssyncadd.s32 @!p0 $0xFFFFEC70  }
0x32: {  	[tilespmem:s26], [sflag:$0x2] =	stream.linear.gather @!p0 [hbm4b:s10+s22], $0x1390, $0x38;
	[tilespmem:$0xEE00] =	vst v63  }
0x33: {  	_ =	swait.ge @!p0 [sflag:s21], $0x1390  }
0x34: {  	[sflag:s21] =	ssyncset.done @!p0 $0x0  }
0x35: {  	[sflag:s21] =	ssyncadd.s32 @!p0 $0xFFFFEC70  }
0x36: {  	_ =	swait.ge [sflag:s17], $0x2710  }
0x37: {  	[sflag:s17] =	ssyncset.done $0x0  }
0x38: {  	[sflag:s17] =	ssyncadd.s32 $0xFFFFD8F0  }
0x39: {  	_ =	swait.ge [sflag:s17], $0x2710  }
0x3a: {  	[sflag:s17] =	ssyncset.done $0x0  }
0x3b: {  	[sflag:s17] =	ssyncadd.s32 $0xFFFFD8F0  }
0x3c: {  	_ =	swait.ge [sflag:s17], $0x2710  }
0x3d: {  	[sflag:s17] =	ssyncset.done $0x0  }
0x3e: {  	[sflag:s17] =	ssyncadd.s32 $0xFFFFD8F0  }
0x3f: {  	_ =	swait.ge [sflag:s17], $0x2710  }
0x40: {  	[sflag:s17] =	ssyncset.done $0x0  }
0x41: {  	s28 =	simm.s32 $0x9E00;
	[sflag:s17] =	ssyncadd.s32 $0xFFFFD8F0  }
0x42: {  	s29 =	simm.s32 $0xB200;
	v0 =	vld [tilespmem:s28+$0x0]  }
0x43: {  	v1 =	vld [tilespmem:s29+$0x0];
	_ =	sdelay $0x6  }
0x44: {  	v2 =	vld.idx.msk [tilespmem:v0+s3+$0x0], $0xffff  }
0x45: {  	v3 =	vld.idx.msk [tilespmem:v1+s15+$0x0], $0xffff  }
0x46: {  	s30 =	simm.s32 $0xC600  }
0x47: {  	v4 =	vld [tilespmem:s30+$0x0];
	_ =	sdelay $0x2  }
0x48: {  	v2 =	vadd.f32 v3, v2;
	_ =	sdelay $0x1  }
0x49: {  	v0 =	vld.idx.msk [tilespmem:v0+s14+$0x0], $0xffff;
	v2 =	vadd.f32 v4, v2  }
0x4a: {  	v1 =	vld.idx.msk [tilespmem:v1+s16+$0x0], $0xffff  }
0x4b: {  	s31 =	simm.s32 $0xDA00;
	s0 =	simm.s32 @!p0 $0x139;
	[tilespmem:s30+$0x0] =	vst v2  }
0x4c: {  	s0 =	simm.s32 @p0 $0x138;
	v2 =	vld [tilespmem:s31+$0x0]  }
0x4d: {  	p1 =	sne.s32 s0, $0x1  }
.Ltmp0:
0x4e: {  	_ = 	snop;
	(pc) =	sbr.rel @!p1 .LBB2_3-.Ltmp0, $3  }
0x4f: {  	v0 =	vadd.f32 v1, v0;
	_ =	sdelay $0x1  }
0x50: {  	v0 =	vadd.f32 v2, v0  }
0x51: {  	s2 =	simm.s32 $0xDA10;
	s0 =	sadd.s32 $0xFFFFFFFF, s0  }
.LBB2_2:
0x52: {  	[tilespmem:s31+$0x0] =	vst v0;
	s28 =	sadd.s32 $0x10, s28;
	s29 =	sadd.s32 $0x10, s29;
	s30 =	sadd.s32 $0x10, s30  }
0x53: {  	p1 =	sne.s32 s0, $0x1;
	s0 =	sadd.s32 $0xFFFFFFFF, s0;
	s31 =	smov.u32 s2;
	v0 =	vld [tilespmem:s28+$0x0]  }
0x54: {  	v1 =	vld [tilespmem:s29+$0x0];
	_ =	sdelay $0x6  }
0x55: {  	v2 =	vld.idx.msk [tilespmem:v0+s3+$0x0], $0xffff  }
0x56: {  	v3 =	vld.idx.msk [tilespmem:v1+s15+$0x0], $0xffff;
	_ =	sdelay $0x2  }
0x57: {  	v4 =	vld [tilespmem:s30+$0x0];
	_ =	sdelay $0x2  }
0x58: {  	v2 =	vadd.f32 v3, v2  }
0x59: {  	v0 =	vld.idx.msk [tilespmem:v0+s14+$0x0], $0xffff  }
0x5a: {  	v1 =	vld.idx.msk [tilespmem:v1+s16+$0x0], $0xffff;
	v2 =	vadd.f32 v4, v2;
	_ =	sdelay $0x1  }
0x5b: {  	[tilespmem:s30+$0x0] =	vst v2  }
0x5c: {  	v2 =	vld [tilespmem:s2+$0x0];
	_ =	sdelay $0x1  }
.Ltmp1:
0x5d: {  	(pc) =	sbr.rel @p1 .LBB2_2-.Ltmp1, $3  }
0x5e: {  	v0 =	vadd.f32 v1, v0;
	_ =	sdelay $0x1  }
0x5f: {  	v0 =	vadd.f32 v2, v0  }
0x60: {  	s2 =	sadd.s32 $0x10, s2  }
.LBB2_3:
0x61: {  	[tilespmem:s31+$0x0] =	vst v0  }
0x62: {  	[hbm4b:s11+s19] =	stream.linear.scatter @p0 [tilespmem:s23], [sflag:$0x2], $0x1380, $0x38;
	[tilespmem:$0xEE00] =	vst v63  }
0x63: {  	_ =	swait.ge @p0 [sflag:s20], $0x1380  }
0x64: {  	[sflag:s20] =	ssyncset.done @p0 $0x0  }
0x65: {  	[sflag:s20] =	ssyncadd.s32 @p0 $0xFFFFEC80  }
0x66: {  	[hbm4b:s12+s19] =	stream.linear.scatter @p0 [tilespmem:s24], [sflag:$0x2], $0x1380, $0x38;
	[tilespmem:$0xEE00] =	vst v63  }
0x67: {  	_ =	swait.ge @p0 [sflag:s20], $0x1380  }
0x68: {  	[sflag:s20] =	ssyncset.done @p0 $0x0  }
0x69: {  	[sflag:s20] =	ssyncadd.s32 @p0 $0xFFFFEC80  }
0x6a: {  	[hbm4b:s11+s22] =	stream.linear.scatter @!p0 [tilespmem:s25], [sflag:$0x2], $0x1390, $0x38;
	[tilespmem:$0xEE00] =	vst v63  }
0x6b: {  	s18 =	sadd.s32 $0x1, s18;
	_ =	swait.ge @!p0 [sflag:s21], $0x1390  }
0x6c: {  	p1 =	sne.s32 s18, s13;
	[sflag:s21] =	ssyncset.done @!p0 $0x0  }
.Ltmp2:
0x6d: {  	[sflag:s21] =	ssyncadd.s32 @!p0 $0xFFFFEC70;
	(pc) =	sbr.rel @p1 .LBB2_1-.Ltmp2, $4  }
0x6e: {  	[hbm4b:s12+s22] =	stream.linear.scatter @!p0 [tilespmem:s26], [sflag:$0x2], $0x1390, $0x38;
	[tilespmem:$0xEE00] =	vst v63  }
0x6f: {  	_ =	swait.ge @!p0 [sflag:s21], $0x1390  }
0x70: {  	[sflag:s21] =	ssyncset.done @!p0 $0x0  }
0x71: {  	[sflag:s21] =	ssyncadd.s32 @!p0 $0xFFFFEC70  }
0x72: {  	_ =	sfence.sel $0x180000  }
0x73: {  	[bflag:$0x0] =	sbarrier.arrive $0xFFFF  }
0x74: {  	_ =	strace $0x90000047  }
0x75: {  	s0 =	stileid.u32;
	[bflag:$0x2] =	sbarrier.arrive $0xFFFF  }
0x76: {  	p0 =	sne.s32 s0, $0x0;
	s0 =	rddreg [dreg:$0x2]  }
0x77: {  	s0 =	sadd.s32 @!p0 $0x100000, s0  }
0x78: {  	[sflag:s0] =	ssyncadd.tile.s32 @!p0 $0x1;
	_ =	shalt  }
.Lfunc_end2:
_tile_overlayer_lowered:
.L_overlay_start_2:
0x79: {  	(tag) =	ssettag $0x2  }
0x7a: {  	s0 =	rddreg [dreg:$0x0];
	s2 =	stileid.u32  }
0x7b: {  	s1 =	rddreg [dreg:$0x1];
	p0 =	sne.s32 s2, $0x0  }
0x7c: {  	s3 =	rddreg [dreg:$0x2];
	[bflag:$0x3] =	sbarrier.arrive $0xFFFF;
	s2 =	simm.s32 @!p0 $0x1C02  }
0x7d: {  	[timem:s3], [sflag:s2] =	dma.local @!p0 [hbm:s0], s1  }
0x7e: {  	s0 =	simm.s32 @!p0 $0x2  }
0x7f: {  	_ =	swait.ge @!p0 [sflag:s0], s1  }
0x80: {  	s1 =	ssub.s32 @!p0 $0x0, s1;
	[sflag:s0] =	ssyncset.done @!p0 $0x0  }
0x81: {  	[sflag:s0] =	ssyncadd.s32 @!p0 s1  }
0x82: {  	[bflag:$0x3] =	sbarrier.arrive $0xFFFF  }
0x83: {  	_ =	shalt  }

</sc_bundles>
